<compile_context>
chip_gen: v7x
topology: tpu7x:2x2x1
jax: 0.10.2.dev20260603
libtpu: 0.0.44.dev20260713+nightly
codegen_flags: <defaults>
</compile_context>

<pallas_src>
import dataclasses
import functools

import jax
import jax.numpy as jnp
from jax.experimental import pallas as pl
from jax.experimental.pallas import tpu as pltpu
from jax.experimental.pallas import tpu_sc as plsc

_B = 4
_C_IN = 3
_HW = 384
_P = 16
_H = 24
_C_FEAT = 192
_K = 512
_SIGMA = 10.0
_M = _B * _H * _H
_D_PATCH = _C_IN * _P * _P
_N = _M * _C_FEAT // 2

_ENC_BM = _H * _H
_DEC_BM = _H * _H
_Q_BM = 2048
_NB = _N // _Q_BM
_GW = 128


def _enc_mm_body(p_ref, w_ref, b_ref, o_ref):
    z = (
        jnp.dot(
            p_ref[...].astype(jnp.bfloat16),
            w_ref[...].astype(jnp.bfloat16),
            preferred_element_type=jnp.float32,
        )
        + b_ref[...]
    )
    o_ref[...] = z.T


def _enc_matmul_t(p, w, b):
    return pl.pallas_call(
        _enc_mm_body,
        grid=(_B,),
        in_specs=[
            pl.BlockSpec((_ENC_BM, _D_PATCH), lambda b: (b, 0)),
            pl.BlockSpec((_D_PATCH, _C_FEAT), lambda b: (0, 0)),
            pl.BlockSpec((1, _C_FEAT), lambda b: (0, 0)),
        ],
        out_specs=pl.BlockSpec((_C_FEAT, _ENC_BM), lambda b: (b, 0)),
        out_shape=jax.ShapeDtypeStruct((_B * _C_FEAT, _H * _H), jnp.float32),
    )(p, w, b.reshape(1, _C_FEAT))


def _quant_body(xf_ref, tabb_ref, tab_ref, idx_ref, acc_ref, es_ref):
    i = pl.program_id(0)
    f0 = xf_ref[:, 0:1]
    f1 = xf_ref[:, 1:2]
    e2 = tab_ref[0:1, :]
    ne2 = tab_ref[1:2, :]
    prod = jnp.dot(
        xf_ref[...].astype(jnp.bfloat16),
        tabb_ref[0:2, :],
        preferred_element_type=jnp.float32,
    )
    nsf = (f0 * f0 + f1 * f1) * jnp.float32(-_SIGMA)
    t = (prod * jnp.float32(2.0 * _SIGMA) + nsf) + ne2
    m = jnp.max(t, axis=1, keepdims=True)
    p = jnp.exp(t - m)
    s_inv = 1.0 / jnp.sum(p, axis=1, keepdims=True)
    sm16 = (p * s_inv).astype(jnp.bfloat16)
    iota = jax.lax.broadcasted_iota(jnp.int32, (_Q_BM, _K), 1)
    masked = jnp.where(t == m, iota, _K)
    idx = jnp.min(masked, axis=1).astype(jnp.int32)
    onehot16 = jnp.where(
        idx[:, None] == jax.lax.broadcasted_iota(jnp.int32, (1, _K), 1),
        jnp.float32(1.0),
        jnp.float32(0.0),
    ).astype(jnp.bfloat16)
    ones_r = jnp.full((1, _Q_BM), 1.0, jnp.bfloat16)
    lik_part = jax.lax.dot_general(
        ones_r, sm16, (((1,), (0,)), ((), ())),
        preferred_element_type=jnp.float32,
    )
    cnt_part = jax.lax.dot_general(
        ones_r, onehot16, (((1,), (0,)), ((), ())),
        preferred_element_type=jnp.float32,
    )
    idx_ref[...] = idx

    @pl.when(i == 0)
    def _():
        acc_ref[...] = jnp.zeros_like(acc_ref)

    acc_ref[0:1, :] += lik_part
    acc_ref[1:2, :] += cnt_part

    @pl.when(i == _NB - 1)
    def _():
        es_ref[...] = (
            jnp.sum(acc_ref[1:2, :] * e2) * (1.0 / _N)
        ).reshape(1, 1)
        acc_ref[0:1, :] = acc_ref[0:1, :] * (1.0 / _N)


def _quantize_stats(xf, tabb, tab):
    return pl.pallas_call(
        _quant_body,
        grid=(_NB,),
        in_specs=[
            pl.BlockSpec((_Q_BM, 2), lambda i: (i, 0)),
            pl.BlockSpec((8, _K), lambda i: (0, 0)),
            pl.BlockSpec((8, _K), lambda i: (0, 0)),
        ],
        out_specs=[
            pl.BlockSpec((_Q_BM,), lambda i: (i,)),
            pl.BlockSpec((8, _K), lambda i: (0, 0)),
            pl.BlockSpec((1, 1), lambda i: (0, 0)),
        ],
        out_shape=[
            jax.ShapeDtypeStruct((_N,), jnp.int32),
            jax.ShapeDtypeStruct((8, _K), jnp.float32),
            jax.ShapeDtypeStruct((1, 1), jnp.float32),
        ],
    )(xf, tabb, tab)


_GD = 16


def _sc_gather(table, idx):
    n = idx.shape[0]
    nw = 32
    b_per_w = n // nw
    mesh = plsc.VectorSubcoreMesh(core_axis_name="c", subcore_axis_name="s")
    cp = pltpu.CompilerParams()
    fields = pltpu.CompilerParams.__dataclass_fields__
    if "needs_layout_passes" in fields:
        cp = dataclasses.replace(cp, needs_layout_passes=False)
    if "use_tc_tiling_on_sc" in fields:
        cp = dataclasses.replace(cp, use_tc_tiling_on_sc=False)

    @functools.partial(
        pl.kernel,
        out_type=jax.ShapeDtypeStruct((n, _GD), jnp.float32),
        mesh=mesh,
        compiler_params=cp,
        scratch_types=[
            pltpu.VMEM((b_per_w,), jnp.int32),
            pltpu.VMEM((b_per_w, _GD), jnp.float32),
            pltpu.SemaphoreType.DMA,
        ],
    )
    def gk(t_hbm, i_hbm, o_hbm, idx_v, rows_v, sem):
        wid = jax.lax.axis_index("s") * 2 + jax.lax.axis_index("c")
        base = wid * b_per_w
        pltpu.sync_copy(i_hbm.at[pl.ds(base, b_per_w)], idx_v)
        pltpu.async_copy(t_hbm.at[idx_v], rows_v, sem).wait()
        pltpu.sync_copy(rows_v, o_hbm.at[pl.ds(base, b_per_w)])

    return gk(table, idx)


def _dec_mm_body(q_ref, nz_ref, w_ref, b_ref, npw_ref, o_ref):
    y = q_ref[...] + npw_ref[...] * nz_ref[...]
    t = (
        jax.lax.dot_general(
            y.astype(jnp.bfloat16),
            w_ref[...].astype(jnp.bfloat16),
            (((0,), (0,)), ((), ())),
            preferred_element_type=jnp.float32,
        )
        + b_ref[...]
    )
    o_ref[...] = jax.nn.sigmoid(t)


def _dec_matmul(q4, nz4, w, b, npw):
    return pl.pallas_call(
        _dec_mm_body,
        grid=(_B,),
        in_specs=[
            pl.BlockSpec((_C_FEAT, _DEC_BM), lambda b: (b, 0)),
            pl.BlockSpec((_C_FEAT, _DEC_BM), lambda b: (b, 0)),
            pl.BlockSpec((_C_FEAT, _D_PATCH), lambda b: (0, 0)),
            pl.BlockSpec((1, _D_PATCH), lambda b: (0, 0)),
            pl.BlockSpec((1, 1), lambda b: (0, 0)),
        ],
        out_specs=pl.BlockSpec((_DEC_BM, _D_PATCH), lambda b: (b, 0)),
        out_shape=jax.ShapeDtypeStruct((_M, _D_PATCH), jnp.float32),
    )(q4, nz4, w, b.reshape(1, _D_PATCH), npw)


def kernel(img, snr, W_enc, b_enc, W_dec, b_dec, embed):
    p = (
        img.reshape(_B, _C_IN, _H, _P, _H, _P)
        .transpose(0, 2, 4, 1, 3, 5)
        .reshape(_M, _D_PATCH)
    )
    zt = _enc_matmul_t(p, W_enc, b_enc)
    xf = zt.reshape(_N, 2)

    ex = embed[:, 0]
    ey = embed[:, 1]
    e2 = ex * ex + ey * ey
    tab = jnp.zeros((8, _K), jnp.float32)
    tab = tab.at[0].set(e2)
    tab = tab.at[1].set(-_SIGMA * e2)
    tabb = jnp.zeros((8, _K), jnp.bfloat16).at[0:2, :].set(
        embed.T.astype(jnp.bfloat16)
    )
    idx, acc, es = _quantize_stats(xf, tabb, tab)
    likelihoods = acc[0]

    table16 = jnp.zeros((_K, _GD), jnp.float32).at[:, 0:2].set(embed)
    q = _sc_gather(table16, idx)[:, 0:2]

    es_s = es[0, 0]
    noise_pwr = jnp.sqrt(es_s * (10.0 ** (-jnp.asarray(snr, jnp.float32) / 10.0)) / 2.0)
    noise = jax.random.normal(jax.random.key(1), (_N, 2), jnp.float32)

    q4 = q.reshape(_B * _C_FEAT, _H * _H)
    nz4 = noise.reshape(_B * _C_FEAT, _H * _H)

    t = _dec_matmul(q4, nz4, W_dec, b_dec, noise_pwr.reshape(1, 1))
    output = (
        t.reshape(_B, _H, _H, _C_IN, _P, _P)
        .transpose(0, 3, 1, 4, 2, 5)
        .reshape(_B, _C_IN, _HW, _HW)
    )
    return output, likelihoods

# --- scband reference (transcript-rebuilt; emitter-appended) ---
"""Pipeline reference for scband-jsccq-31550829757033 (READ-ONLY COPY).

The authoritative reference and input builder live on the scoring server;
editing this copy changes nothing except your own understanding.
"""

import jax, jax.numpy as jnp
import numpy as np

B, C_IN, HW = 4, 3, 384
P = 16
C_FEAT = 192
H_ = HW // P
N_EMB = 2 * 256
N_EMB = 512
SIGMA = 10.0  # sigma = Kg * 1 (linear_anneal at t=0); torch code requires linear_anneal before forward


def _enc(img, W_enc, b_enc):
    Bq = img.shape[0]
    p = img.reshape(Bq, C_IN, H_, P, H_, P)
    p = p.transpose(0, 2, 4, 1, 3, 5).reshape(Bq, H_ * H_, C_IN * P * P)
    z = p @ W_enc + b_enc
    z = z.reshape(Bq, H_, H_, C_FEAT).transpose(0, 3, 1, 2)
    return z


def _dec(y, W_dec, b_dec):
    Bq = y.shape[0]
    t = y.transpose(0, 2, 3, 1).reshape(Bq, H_ * H_, C_FEAT)
    t = t @ W_dec + b_dec
    t = t.reshape(Bq, H_, H_, C_IN, P, P).transpose(0, 3, 1, 4, 2, 5).reshape(Bq, C_IN, HW, HW)
    return t


def _quantize(x, embedding, sigma):
    Bq = x.shape[0]
    x = x.reshape(Bq, -1, 2)
    flatten = x.reshape(-1, 2)
    dist = jnp.sum(flatten ** 2, axis=1, keepdims=True) - 2.0 * (flatten @ embedding) + jnp.sum(embedding ** 2, axis=0, keepdims=True)
    soft_assign = jax.nn.softmax(-sigma * dist, axis=1)
    likelihoods = jnp.mean(soft_assign, axis=0)
    embed_ind = jnp.argmax(soft_assign, axis=1).reshape(x.shape[:-1])
    quantize = jnp.take(embedding.T, embed_ind, axis=0)
    soft_q = (soft_assign @ embedding.T).reshape(x.shape)
    quantize = soft_q + jax.lax.stop_gradient(quantize - soft_q)
    return quantize, likelihoods


def setup_inputs(seed: int = 0):
    key = jax.random.key(seed)
    ks = jax.random.split(key, 6)
    img = jax.random.normal(ks[0], (B, C_IN, HW, HW), jnp.float32)
    W_enc = jax.random.normal(ks[1], (C_IN * P * P, C_FEAT), jnp.float32) * 0.02
    b_enc = jnp.zeros((C_FEAT,), jnp.float32)
    W_dec = jax.random.normal(ks[2], (C_FEAT, C_IN * P * P), jnp.float32) * 0.02
    b_dec = jnp.zeros((C_IN * P * P,), jnp.float32)
    embed = jax.random.normal(ks[3], (N_EMB, 2), jnp.float32)
    return {"img": img, "snr": 10, "W_enc": W_enc, "b_enc": b_enc, "W_dec": W_dec, "b_dec": b_dec, "embed": embed}


def reference(img, snr, W_enc, b_enc, W_dec, b_dec, embed):
    embedding = embed.T  # [2, K]
    x = _enc(img, W_enc, b_enc)
    Bx, Cx, Hx, Wx = x.shape
    quantized, likelihoods = _quantize(x, embedding, SIGMA)
    quantized = quantized.reshape(-1, 2)
    Es = jnp.mean(jnp.sum(quantized ** 2, axis=1))  # mean |complex|^2
    noise_pwr = jnp.sqrt(Es * (10.0 ** (-jnp.asarray(snr, jnp.float32) / 10.0)) / 2.0)
    noise = noise_pwr * jax.random.normal(jax.random.key(1), quantized.shape, jnp.float32)
    y = (quantized + noise).reshape(Bx, Cx, Hx, Wx)
    output = jax.nn.sigmoid(_dec(y, W_dec, b_dec))
    return output, likelihoods

if __name__ == "__main__":
    import jax
    _d = setup_inputs()
    print(jax.jit(kernel)(*tuple(_d.values())))

</pallas_src>

<mosaic_0001>
#map = affine_map<(d0, d1) -> (0, 0)>
#map1 = affine_map<(d0, d1) -> (0)>
module attributes {stable_mosaic.version = 14 : i64} {
  func.func @gk(%arg0: i32, %arg1: i32, %arg2: memref<512x16xf32, #tpu.memory_space<hbm>>, %arg3: memref<221184xi32, #tpu.memory_space<hbm>>, %arg4: memref<221184x16xf32, #tpu.memory_space<hbm>>, %arg5: memref<6912xi32, #tpu.memory_space<vmem>>, %arg6: memref<6912x16xf32, #tpu.memory_space<vmem>>, %arg7: memref<!tpu.dma_semaphore, #tpu.memory_space<semaphore_mem>>) attributes {dimension_semantics = [#tpu.dimension_semantics<core_parallel>, #tpu.dimension_semantics<subcore_parallel>], iteration_bounds = array<i64: 2, 16>, scalar_prefetch = 0 : i64, scratch_operands = 3 : i64, tpu.core_type = #tpu.core_type<sc_vector_subcore>, window_params = [{transform_indices = #map}, {transform_indices = #map1}, {transform_indices = #map}]} {
    %mul3A = arith.constant 2 : i32
    %mul3A_0 = arith.muli %arg1, %mul3A : i32
    %add3A = arith.addi %mul3A_0, %arg0 : i32
    %mul3A_1 = arith.constant 6912 : i32
    %mul3A_2 = arith.muli %add3A, %mul3A_1 : i32
    "tpu.region"() ({
      %run_scoped3A = tpu.sem_alloc : memref<!tpu.dma_semaphore, #tpu.memory_space<semaphore_mem>>
      %dma_start3A_7 = tpu.memref_slice %arg3[%mul3A_2] : memref<221184xi32, #tpu.memory_space<hbm>> -> memref<6912xi32, #tpu.memory_space<hbm>>
      %dma_start3A_8 = tpu.memref_slice %arg3[%mul3A_2] : memref<221184xi32, #tpu.memory_space<hbm>> -> memref<6912xi32, #tpu.memory_space<hbm>>
      tpu.enqueue_dma source(%dma_start3A_8 : memref<6912xi32, #tpu.memory_space<hbm>>) target(%arg5 : memref<6912xi32, #tpu.memory_space<vmem>>) target_semaphore(%run_scoped3A : memref<!tpu.dma_semaphore, #tpu.memory_space<semaphore_mem>>)
      %dma_wait3A_9 = tpu.memref_slice %arg3[%mul3A_2] : memref<221184xi32, #tpu.memory_space<hbm>> -> memref<6912xi32, #tpu.memory_space<hbm>>
      %dma_wait3A_10 = tpu.memref_slice %arg3[%mul3A_2] : memref<221184xi32, #tpu.memory_space<hbm>> -> memref<6912xi32, #tpu.memory_space<hbm>>
      tpu.wait_dma2 semaphore(%run_scoped3A : memref<!tpu.dma_semaphore, #tpu.memory_space<semaphore_mem>>) src(%dma_wait3A_10 : memref<6912xi32, #tpu.memory_space<hbm>>) dst(%arg5 : memref<6912xi32, #tpu.memory_space<vmem>>)
      tpu.yield
    }) : () -> ()
    %dma_start3A = arith.constant 0 : i32
    %dma_start3A_3 = arith.constant 0 : i32
    %dma_start3A_4 = tpu.memref_slice %arg2[%dma_start3A, %dma_start3A_3] : memref<512x16xf32, #tpu.memory_space<hbm>> -> memref<512x16xf32, #tpu.memory_space<hbm>>
    tpu.enqueue_indirect_dma source(%dma_start3A_4 : memref<512x16xf32, #tpu.memory_space<hbm>>) target(%arg6 : memref<6912x16xf32, #tpu.memory_space<vmem>>) offsets(%arg5 : memref<6912xi32, #tpu.memory_space<vmem>>) semaphore(%arg7 : memref<!tpu.dma_semaphore, #tpu.memory_space<semaphore_mem>>)
    %dma_wait3A = arith.constant 0 : i32
    %dma_wait3A_5 = arith.constant 0 : i32
    %dma_wait3A_6 = tpu.memref_slice %arg2[%dma_wait3A, %dma_wait3A_5] : memref<512x16xf32, #tpu.memory_space<hbm>> -> memref<512x16xf32, #tpu.memory_space<hbm>>
    tpu.wait_indirect_dma semaphore(%arg7 : memref<!tpu.dma_semaphore, #tpu.memory_space<semaphore_mem>>) src(%dma_wait3A_6 : memref<512x16xf32, #tpu.memory_space<hbm>>) dst(%arg6 : memref<6912x16xf32, #tpu.memory_space<vmem>>)
    "tpu.region"() ({
      %run_scoped3A = tpu.sem_alloc : memref<!tpu.dma_semaphore, #tpu.memory_space<semaphore_mem>>
      %dma_start3A_7 = arith.constant 0 : i32
      %dma_start3A_8 = tpu.memref_slice %arg4[%mul3A_2, %dma_start3A_7] : memref<221184x16xf32, #tpu.memory_space<hbm>> -> memref<6912x16xf32, #tpu.memory_space<hbm>>
      %dma_start3A_9 = arith.constant 0 : i32
      %dma_start3A_10 = tpu.memref_slice %arg4[%mul3A_2, %dma_start3A_9] : memref<221184x16xf32, #tpu.memory_space<hbm>> -> memref<6912x16xf32, #tpu.memory_space<hbm>>
      tpu.enqueue_dma source(%arg6 : memref<6912x16xf32, #tpu.memory_space<vmem>>) target(%dma_start3A_10 : memref<6912x16xf32, #tpu.memory_space<hbm>>) target_semaphore(%run_scoped3A : memref<!tpu.dma_semaphore, #tpu.memory_space<semaphore_mem>>)
      %dma_wait3A_11 = arith.constant 0 : i32
      %dma_wait3A_12 = tpu.memref_slice %arg4[%mul3A_2, %dma_wait3A_11] : memref<221184x16xf32, #tpu.memory_space<hbm>> -> memref<6912x16xf32, #tpu.memory_space<hbm>>
      %dma_wait3A_13 = arith.constant 0 : i32
      %dma_wait3A_14 = tpu.memref_slice %arg4[%mul3A_2, %dma_wait3A_13] : memref<221184x16xf32, #tpu.memory_space<hbm>> -> memref<6912x16xf32, #tpu.memory_space<hbm>>
      tpu.wait_dma2 semaphore(%run_scoped3A : memref<!tpu.dma_semaphore, #tpu.memory_space<semaphore_mem>>) src(%arg6 : memref<6912x16xf32, #tpu.memory_space<vmem>>) dst(%dma_wait3A_14 : memref<6912x16xf32, #tpu.memory_space<hbm>>)
      tpu.yield
    }) : () -> ()
    return
  }
}

module attributes {stable_mosaic.version = 14 : i64} {
  func.func @_enc_mm_body(%arg0: i32, %arg1: memref<576x768xf32, #tpu.memory_space<vmem>>, %arg2: memref<768x192xf32, #tpu.memory_space<vmem>>, %arg3: memref<1x192xf32, #tpu.memory_space<vmem>>, %arg4: memref<192x576xf32, #tpu.memory_space<vmem>>) attributes {dimension_semantics = [#tpu.dimension_semantics<arbitrary>], iteration_bounds = array<i64: 4>, scalar_prefetch = 0 : i64, scratch_operands = 0 : i64, tpu.core_type = #tpu.core_type<tc>, window_params = [{transform_indices = @transform_0, window_bounds = array<i64: 576, 768>}, {pipeline_mode = #tpu.pipeline_mode<synchronous>, transform_indices = @transform_1, window_bounds = array<i64: 768, 192>}, {pipeline_mode = #tpu.pipeline_mode<synchronous>, transform_indices = @transform_2, window_bounds = array<i64: 1, 192>}, {transform_indices = @transform_3, window_bounds = array<i64: 192, 576>}]} {
    %get3A = arith.constant 0 : index
    %get3A_0 = arith.constant 0 : index
    %get3A_1 = vector.load %arg1[%get3A, %get3A_0] : memref<576x768xf32, #tpu.memory_space<vmem>>, vector<576x768xf32>
    %convert_element_type3A = arith.truncf %get3A_1 : vector<576x768xf32> to vector<576x768xbf16>
    %get3A_2 = arith.constant 0 : index
    %get3A_3 = arith.constant 0 : index
    %get3A_4 = vector.load %arg2[%get3A_2, %get3A_3] : memref<768x192xf32, #tpu.memory_space<vmem>>, vector<768x192xf32>
    %convert_element_type3A_5 = arith.truncf %get3A_4 : vector<768x192xf32> to vector<768x192xbf16>
    %dot_general3A = arith.constant dense<0.000000e+00> : vector<576x192xf32>
    %dot_general3A_6 = tpu.matmul %convert_element_type3A, %convert_element_type3A_5, %dot_general3A {dimension_numbers = #tpu.dot_dimension_numbers<[1], [0], [0], [1], [0, 0, 1, 1], [], []>, transpose_lhs_hint = false} : vector<576x768xbf16>, vector<768x192xbf16>, vector<576x192xf32> -> vector<576x192xf32>
    %get3A_7 = arith.constant 0 : index
    %get3A_8 = arith.constant 0 : index
    %get3A_9 = vector.load %arg3[%get3A_7, %get3A_8] : memref<1x192xf32, #tpu.memory_space<vmem>>, vector<1x192xf32>
    %add3A = vector.broadcast %get3A_9 : vector<1x192xf32> to vector<576x192xf32>
    %add3A_10 = arith.addf %dot_general3A_6, %add3A : vector<576x192xf32>
    %transpose3A = tpu.transpose %add3A_10, [1, 0] : vector<576x192xf32> -> vector<192x576xf32>
    %swap3A = arith.constant 0 : index
    %swap3A_11 = arith.constant 0 : index
    %swap3A_12 = vector.load %arg4[%swap3A, %swap3A_11] : memref<192x576xf32, #tpu.memory_space<vmem>>, vector<192x576xf32>
    tpu.vector_store %arg4[%swap3A, %swap3A_11], %transpose3A {strides = array<i32>} : memref<192x576xf32, #tpu.memory_space<vmem>>, vector<192x576xf32>,
    return
  }
  func.func @transform_0(%arg0: i32) -> (i32, i32) {
    %c0_i32 = arith.constant 0 : i32
    %c0_i32_0 = arith.constant 0 : i32
    return %arg0, %c0_i32 : i32, i32
  }
  func.func @transform_1(%arg0: i32) -> (i32, i32) {
    %c0_i32 = arith.constant 0 : i32
    %c0_i32_0 = arith.constant 0 : i32
    %c0_i32_1 = arith.constant 0 : i32
    return %c0_i32, %c0_i32_0 : i32, i32
  }
  func.func @transform_2(%arg0: i32) -> (i32, i32) {
    %c0_i32 = arith.constant 0 : i32
    %c0_i32_0 = arith.constant 0 : i32
    %c0_i32_1 = arith.constant 0 : i32
    return %c0_i32, %c0_i32_0 : i32, i32
  }
  func.func @transform_3(%arg0: i32) -> (i32, i32) {
    %c0_i32 = arith.constant 0 : i32
    %c0_i32_0 = arith.constant 0 : i32
    return %arg0, %c0_i32 : i32, i32
  }
}

module attributes {stable_mosaic.version = 14 : i64} {
  func.func @_quant_body(%arg0: i32, %arg1: memref<2048x2xf32, #tpu.memory_space<vmem>>, %arg2: memref<8x512xbf16, #tpu.memory_space<vmem>>, %arg3: memref<8x512xf32, #tpu.memory_space<vmem>>, %arg4: memref<2048xi32, #tpu.memory_space<vmem>>, %arg5: memref<8x512xf32, #tpu.memory_space<vmem>>, %arg6: memref<1x1xf32, #tpu.memory_space<vmem>>) attributes {dimension_semantics = [#tpu.dimension_semantics<arbitrary>], iteration_bounds = array<i64: 108>, scalar_prefetch = 0 : i64, scratch_operands = 0 : i64, tpu.core_type = #tpu.core_type<tc>, window_params = [{transform_indices = @transform_0, window_bounds = array<i64: 2048, 2>}, {pipeline_mode = #tpu.pipeline_mode<synchronous>, transform_indices = @transform_1, window_bounds = array<i64: 8, 512>}, {pipeline_mode = #tpu.pipeline_mode<synchronous>, transform_indices = @transform_2, window_bounds = array<i64: 8, 512>}, {transform_indices = @transform_3, window_bounds = array<i64: 2048>}, {pipeline_mode = #tpu.pipeline_mode<synchronous>, transform_indices = @transform_4, window_bounds = array<i64: 8, 512>}, {pipeline_mode = #tpu.pipeline_mode<synchronous>, transform_indices = @transform_5, window_bounds = array<i64: 1, 1>}]} {
    %get3A = arith.constant 0 : index
    %get3A_0 = arith.constant 0 : index
    %get3A_1 = vector.load %arg1[%get3A, %get3A_0] : memref<2048x2xf32, #tpu.memory_space<vmem>>, vector<2048x1xf32>
    %get3A_2 = arith.constant 0 : index
    %get3A_3 = arith.constant 1 : index
    %get3A_4 = vector.load %arg1[%get3A_2, %get3A_3] : memref<2048x2xf32, #tpu.memory_space<vmem>>, vector<2048x1xf32>
    %get3A_5 = arith.constant 0 : index
    %get3A_6 = arith.constant 0 : index
    %get3A_7 = vector.load %arg3[%get3A_5, %get3A_6] : memref<8x512xf32, #tpu.memory_space<vmem>>, vector<1x512xf32>
    %get3A_8 = arith.constant 1 : index
    %get3A_9 = arith.constant 0 : index
    %get3A_10 = vector.load %arg3[%get3A_8, %get3A_9] : memref<8x512xf32, #tpu.memory_space<vmem>>, vector<1x512xf32>
    %get3A_11 = arith.constant 0 : index
    %get3A_12 = arith.constant 0 : index
    %get3A_13 = vector.load %arg1[%get3A_11, %get3A_12] : memref<2048x2xf32, #tpu.memory_space<vmem>>, vector<2048x2xf32>
    %convert_element_type3A = arith.truncf %get3A_13 : vector<2048x2xf32> to vector<2048x2xbf16>
    %get3A_14 = arith.constant 0 : index
    %get3A_15 = arith.constant 0 : index
    %get3A_16 = vector.load %arg2[%get3A_14, %get3A_15] : memref<8x512xbf16, #tpu.memory_space<vmem>>, vector<2x512xbf16>
    %dot_general3A = arith.constant dense<0.000000e+00> : vector<2048x512xf32>
    %dot_general3A_17 = tpu.matmul %convert_element_type3A, %get3A_16, %dot_general3A {dimension_numbers = #tpu.dot_dimension_numbers<[1], [0], [0], [1], [0, 0, 1, 1], [], []>, transpose_lhs_hint = false} : vector<2048x2xbf16>, vector<2x512xbf16>, vector<2048x512xf32> -> vector<2048x512xf32>
    %mul3A = arith.mulf %get3A_1, %get3A_1 : vector<2048x1xf32>
    %mul3A_18 = arith.mulf %get3A_4, %get3A_4 : vector<2048x1xf32>
    %add3A = arith.addf %mul3A, %mul3A_18 : vector<2048x1xf32>
    %mul3A_19 = arith.constant -1.000000e+01 : f32
    %mul3A_20 = vector.broadcast %mul3A_19 : f32 to vector<2048x1xf32>
    %mul3A_21 = arith.mulf %add3A, %mul3A_20 : vector<2048x1xf32>
    %mul3A_22 = arith.constant 2.000000e+01 : f32
    %mul3A_23 = vector.broadcast %mul3A_22 : f32 to vector<2048x512xf32>
    %mul3A_24 = arith.mulf %dot_general3A_17, %mul3A_23 : vector<2048x512xf32>
    %add3A_25 = vector.broadcast %mul3A_21 : vector<2048x1xf32> to vector<2048x512xf32>
    %add3A_26 = arith.addf %mul3A_24, %add3A_25 : vector<2048x512xf32>
    %add3A_27 = vector.broadcast %get3A_10 : vector<1x512xf32> to vector<2048x512xf32>
    %add3A_28 = arith.addf %add3A_26, %add3A_27 : vector<2048x512xf32>
    %reduce_max3A = arith.constant dense<0xFF800000> : vector<2048xf32>
    %reduce_max3A_29 = vector.multi_reduction <maximumf>, %add3A_28, %reduce_max3A [1] : vector<2048x512xf32> to vector<2048xf32>
    %broadcast_in_dim3A = vector.shape_cast %reduce_max3A_29 : vector<2048xf32> to vector<2048x1xf32>
    %sub3A = vector.broadcast %broadcast_in_dim3A : vector<2048x1xf32> to vector<2048x512xf32>
    %sub3A_30 = arith.subf %add3A_28, %sub3A : vector<2048x512xf32>
    %exp3A = math.exp %sub3A_30 : vector<2048x512xf32>
    %reduce_sum3A = arith.constant dense<0.000000e+00> : vector<2048xf32>
    %reduce_sum3A_31 = vector.multi_reduction <add>, %exp3A, %reduce_sum3A [1] : vector<2048x512xf32> to vector<2048xf32>
    %broadcast_in_dim3A_32 = vector.shape_cast %reduce_sum3A_31 : vector<2048xf32> to vector<2048x1xf32>
    %div3A = arith.constant 1.000000e+00 : f32
    %div3A_33 = vector.broadcast %div3A : f32 to vector<2048x1xf32>
    %div3A_34 = arith.divf %div3A_33, %broadcast_in_dim3A_32 : vector<2048x1xf32>
    %mul3A_35 = vector.broadcast %div3A_34 : vector<2048x1xf32> to vector<2048x512xf32>
    %mul3A_36 = arith.mulf %exp3A, %mul3A_35 : vector<2048x512xf32>
    %convert_element_type3A_37 = arith.truncf %mul3A_36 : vector<2048x512xf32> to vector<2048x512xbf16>
    %iota3A = tpu.iota {dimensions = array<i32: 1>} : vector<2048x512xi32>
    %eq3A = vector.broadcast %broadcast_in_dim3A : vector<2048x1xf32> to vector<2048x512xf32>
    %eq3A_38 = arith.cmpf oeq, %add3A_28, %eq3A : vector<2048x512xf32>
    %jit3A = arith.constant 512 : i32
    %broadcast_in_dim3A_39 = vector.broadcast %jit3A : i32 to vector<2048x512xi32>
    %select_n3A = arith.select %eq3A_38, %iota3A, %broadcast_in_dim3A_39 : vector<2048x512xi1>, vector<2048x512xi32>
    %reduce_min3A = arith.constant dense<2147483647> : vector<2048xi32>
    %reduce_min3A_40 = vector.multi_reduction <minsi>, %select_n3A, %reduce_min3A [1] : vector<2048x512xi32> to vector<2048xi32>
    %broadcast_in_dim3A_41 = vector.shape_cast %reduce_min3A_40 : vector<2048xi32> to vector<2048x1xi32>
    %iota3A_42 = tpu.iota {dimensions = array<i32: 1>} : vector<1x512xi32>
    %eq3A_43 = vector.broadcast %broadcast_in_dim3A_41 : vector<2048x1xi32> to vector<2048x512xi32>
    %eq3A_44 = vector.broadcast %iota3A_42 : vector<1x512xi32> to vector<2048x512xi32>
    %eq3A_45 = arith.cmpi eq, %eq3A_43, %eq3A_44 : vector<2048x512xi32>
    %jit3A_46 = arith.constant 1.000000e+00 : f32
    %jit3A_47 = arith.constant 0.000000e+00 : f32
    %broadcast_in_dim3A_48 = vector.broadcast %jit3A_46 : f32 to vector<2048x512xf32>
    %broadcast_in_dim3A_49 = vector.broadcast %jit3A_47 : f32 to vector<2048x512xf32>
    %select_n3A_50 = arith.select %eq3A_45, %broadcast_in_dim3A_48, %broadcast_in_dim3A_49 : vector<2048x512xi1>, vector<2048x512xf32>
    %convert_element_type3A_51 = arith.truncf %select_n3A_50 : vector<2048x512xf32> to vector<2048x512xbf16>
    %broadcast_in_dim3A_52 = arith.constant 1.000000e+00 : bf16
    %broadcast_in_dim3A_53 = vector.broadcast %broadcast_in_dim3A_52 : bf16 to vector<1x2048xbf16>
    %dot_general3A_54 = arith.constant dense<0.000000e+00> : vector<1x512xf32>
    %dot_general3A_55 = tpu.matmul %broadcast_in_dim3A_53, %convert_element_type3A_37, %dot_general3A_54 {dimension_numbers = #tpu.dot_dimension_numbers<[1], [0], [0], [1], [0, 0, 1, 1], [], []>, transpose_lhs_hint = false} : vector<1x2048xbf16>, vector<2048x512xbf16>, vector<1x512xf32> -> vector<1x512xf32>
    %dot_general3A_56 = arith.constant dense<0.000000e+00> : vector<1x512xf32>
    %dot_general3A_57 = tpu.matmul %broadcast_in_dim3A_53, %convert_element_type3A_51, %dot_general3A_56 {dimension_numbers = #tpu.dot_dimension_numbers<[1], [0], [0], [1], [0, 0, 1, 1], [], []>, transpose_lhs_hint = false} : vector<1x2048xbf16>, vector<2048x512xbf16>, vector<1x512xf32> -> vector<1x512xf32>
    %swap3A = arith.constant 0 : index
    %swap3A_58 = vector.load %arg4[%swap3A] : memref<2048xi32, #tpu.memory_space<vmem>>, vector<2048xi32>
    tpu.vector_store %arg4[%swap3A], %reduce_min3A_40 {strides = array<i32>} : memref<2048xi32, #tpu.memory_space<vmem>>, vector<2048xi32>,
    %eq3A_59 = arith.constant 0 : i32
    %eq3A_60 = arith.cmpi eq, %arg0, %eq3A_59 : i32
    %convert_element_type3A_61 = arith.extui %eq3A_60 : i1 to i32
    %cond3A = arith.constant 0 : i32
    %cond3A_62 = arith.cmpi ne, %convert_element_type3A_61, %cond3A : i32
    scf.if %cond3A_62 {
      %broadcast_in_dim3A_82 = arith.constant 0.000000e+00 : f32
      %broadcast_in_dim3A_83 = vector.broadcast %broadcast_in_dim3A_82 : f32 to vector<8x512xf32>
      %swap3A_84 = arith.constant 0 : index
      %swap3A_85 = arith.constant 0 : index
      %swap3A_86 = vector.load %arg5[%swap3A_84, %swap3A_85] : memref<8x512xf32, #tpu.memory_space<vmem>>, vector<8x512xf32>
      tpu.vector_store %arg5[%swap3A_84, %swap3A_85], %broadcast_in_dim3A_83 {strides = array<i32>} : memref<8x512xf32, #tpu.memory_space<vmem>>, vector<8x512xf32>,
    } else {
    }
    %get3A_63 = arith.constant 0 : index
    %get3A_64 = arith.constant 0 : index
    %get3A_65 = vector.load %arg5[%get3A_63, %get3A_64] : memref<8x512xf32, #tpu.memory_space<vmem>>, vector<1x512xf32>
    %add3A_66 = arith.addf %get3A_65, %dot_general3A_55 : vector<1x512xf32>
    %swap3A_67 = arith.constant 0 : index
    %swap3A_68 = arith.constant 0 : index
    %swap3A_69 = vector.load %arg5[%swap3A_67, %swap3A_68] : memref<8x512xf32, #tpu.memory_space<vmem>>, vector<1x512xf32>
    tpu.vector_store %arg5[%swap3A_67, %swap3A_68], %add3A_66 {strides = array<i32>} : memref<8x512xf32, #tpu.memory_space<vmem>>, vector<1x512xf32>,
    %get3A_70 = arith.constant 1 : index
    %get3A_71 = arith.constant 0 : index
    %get3A_72 = vector.load %arg5[%get3A_70, %get3A_71] : memref<8x512xf32, #tpu.memory_space<vmem>>, vector<1x512xf32>
    %add3A_73 = arith.addf %get3A_72, %dot_general3A_57 : vector<1x512xf32>
    %swap3A_74 = arith.constant 1 : index
    %swap3A_75 = arith.constant 0 : index
    %swap3A_76 = vector.load %arg5[%swap3A_74, %swap3A_75] : memref<8x512xf32, #tpu.memory_space<vmem>>, vector<1x512xf32>
    tpu.vector_store %arg5[%swap3A_74, %swap3A_75], %add3A_73 {strides = array<i32>} : memref<8x512xf32, #tpu.memory_space<vmem>>, vector<1x512xf32>,
    %eq3A_77 = arith.constant 107 : i32
    %eq3A_78 = arith.cmpi eq, %arg0, %eq3A_77 : i32
    %convert_element_type3A_79 = arith.extui %eq3A_78 : i1 to i32
    %cond3A_80 = arith.constant 0 : i32
    %cond3A_81 = arith.cmpi ne, %convert_element_type3A_79, %cond3A_80 : i32
    scf.if %cond3A_81 {
      %get3A_82 = arith.constant 1 : index
      %get3A_83 = arith.constant 0 : index
      %get3A_84 = vector.load %arg5[%get3A_82, %get3A_83] : memref<8x512xf32, #tpu.memory_space<vmem>>, vector<1x512xf32>
      %mul3A_85 = arith.mulf %get3A_84, %get3A_7 : vector<1x512xf32>
      %reduce_sum3A_86 = vector.shape_cast %mul3A_85 : vector<1x512xf32> to vector<1x1x512xf32>
      %reduce_sum3A_87 = arith.constant dense<0.000000e+00> : vector<1xf32>
      %reduce_sum3A_88 = vector.multi_reduction <add>, %reduce_sum3A_86, %reduce_sum3A_87 [1, 2] : vector<1x1x512xf32> to vector<1xf32>
      %reduce_sum3A_89 = vector.shape_cast %reduce_sum3A_88 : vector<1xf32> to vector<1x1x1xf32>
      %reduce_sum3A_90 = vector.extract %reduce_sum3A_89[0, 0, 0] : f32 from vector<1x1x1xf32>
      %mul3A_91 = arith.constant 4.52112272E-6 : f32
      %mul3A_92 = arith.mulf %reduce_sum3A_90, %mul3A_91 : f32
      %reshape3A = vector.broadcast %mul3A_92 : f32 to vector<1x1xf32>
      %swap3A_93 = arith.constant 0 : index
      %swap3A_94 = arith.constant 0 : index
      %swap3A_95 = vector.load %arg6[%swap3A_93, %swap3A_94] : memref<1x1xf32, #tpu.memory_space<vmem>>, vector<1x1xf32>
      tpu.vector_store %arg6[%swap3A_93, %swap3A_94], %reshape3A {strides = array<i32>} : memref<1x1xf32, #tpu.memory_space<vmem>>, vector<1x1xf32>,
      %get3A_96 = arith.constant 0 : index
      %get3A_97 = arith.constant 0 : index
      %get3A_98 = vector.load %arg5[%get3A_96, %get3A_97] : memref<8x512xf32, #tpu.memory_space<vmem>>, vector<1x512xf32>
      %mul3A_99 = arith.constant 4.52112272E-6 : f32
      %mul3A_100 = vector.broadcast %mul3A_99 : f32 to vector<1x512xf32>
      %mul3A_101 = arith.mulf %get3A_98, %mul3A_100 : vector<1x512xf32>
      %swap3A_102 = arith.constant 0 : index
      %swap3A_103 = arith.constant 0 : index
      %swap3A_104 = vector.load %arg5[%swap3A_102, %swap3A_103] : memref<8x512xf32, #tpu.memory_space<vmem>>, vector<1x512xf32>
      tpu.vector_store %arg5[%swap3A_102, %swap3A_103], %mul3A_101 {strides = array<i32>} : memref<8x512xf32, #tpu.memory_space<vmem>>, vector<1x512xf32>,
    } else {
    }
    return
  }
  func.func @transform_0(%arg0: i32) -> (i32, i32) {
    %c0_i32 = arith.constant 0 : i32
    %c0_i32_0 = arith.constant 0 : i32
    return %arg0, %c0_i32 : i32, i32
  }
  func.func @transform_1(%arg0: i32) -> (i32, i32) {
    %c0_i32 = arith.constant 0 : i32
    %c0_i32_0 = arith.constant 0 : i32
    %c0_i32_1 = arith.constant 0 : i32
    return %c0_i32, %c0_i32_0 : i32, i32
  }
  func.func @transform_2(%arg0: i32) -> (i32, i32) {
    %c0_i32 = arith.constant 0 : i32
    %c0_i32_0 = arith.constant 0 : i32
    %c0_i32_1 = arith.constant 0 : i32
    return %c0_i32, %c0_i32_0 : i32, i32
  }
  func.func @transform_3(%arg0: i32) -> i32 {
    %c0_i32 = arith.constant 0 : i32
    return %arg0 : i32
  }
  func.func @transform_4(%arg0: i32) -> (i32, i32) {
    %c0_i32 = arith.constant 0 : i32
    %c0_i32_0 = arith.constant 0 : i32
    %c0_i32_1 = arith.constant 0 : i32
    return %c0_i32, %c0_i32_0 : i32, i32
  }
  func.func @transform_5(%arg0: i32) -> (i32, i32) {
    %c0_i32 = arith.constant 0 : i32
    %c0_i32_0 = arith.constant 0 : i32
    %c0_i32_1 = arith.constant 0 : i32
    return %c0_i32, %c0_i32_0 : i32, i32
  }
}

module attributes {stable_mosaic.version = 14 : i64} {
  func.func @_dec_mm_body(%arg0: i32, %arg1: memref<192x576xf32, #tpu.memory_space<vmem>>, %arg2: memref<192x576xf32, #tpu.memory_space<vmem>>, %arg3: memref<192x768xf32, #tpu.memory_space<vmem>>, %arg4: memref<1x768xf32, #tpu.memory_space<vmem>>, %arg5: memref<1x1xf32, #tpu.memory_space<vmem>>, %arg6: memref<576x768xf32, #tpu.memory_space<vmem>>) attributes {dimension_semantics = [#tpu.dimension_semantics<arbitrary>], iteration_bounds = array<i64: 4>, scalar_prefetch = 0 : i64, scratch_operands = 0 : i64, tpu.core_type = #tpu.core_type<tc>, window_params = [{transform_indices = @transform_0, window_bounds = array<i64: 192, 576>}, {transform_indices = @transform_1, window_bounds = array<i64: 192, 576>}, {pipeline_mode = #tpu.pipeline_mode<synchronous>, transform_indices = @transform_2, window_bounds = array<i64: 192, 768>}, {pipeline_mode = #tpu.pipeline_mode<synchronous>, transform_indices = @transform_3, window_bounds = array<i64: 1, 768>}, {pipeline_mode = #tpu.pipeline_mode<synchronous>, transform_indices = @transform_4, window_bounds = array<i64: 1, 1>}, {transform_indices = @transform_5, window_bounds = array<i64: 576, 768>}]} {
    %get3A = arith.constant 0 : index
    %get3A_0 = arith.constant 0 : index
    %get3A_1 = vector.load %arg1[%get3A, %get3A_0] : memref<192x576xf32, #tpu.memory_space<vmem>>, vector<192x576xf32>
    %get3A_2 = arith.constant 0 : index
    %get3A_3 = arith.constant 0 : index
    %get3A_4 = vector.load %arg5[%get3A_2, %get3A_3] : memref<1x1xf32, #tpu.memory_space<vmem>>, vector<1x1xf32>
    %get3A_5 = arith.constant 0 : index
    %get3A_6 = arith.constant 0 : index
    %get3A_7 = vector.load %arg2[%get3A_5, %get3A_6] : memref<192x576xf32, #tpu.memory_space<vmem>>, vector<192x576xf32>
    %mul3A = vector.broadcast %get3A_4 : vector<1x1xf32> to vector<192x576xf32>
    %mul3A_8 = arith.mulf %mul3A, %get3A_7 : vector<192x576xf32>
    %add3A = arith.addf %get3A_1, %mul3A_8 : vector<192x576xf32>
    %convert_element_type3A = arith.truncf %add3A : vector<192x576xf32> to vector<192x576xbf16>
    %get3A_9 = arith.constant 0 : index
    %get3A_10 = arith.constant 0 : index
    %get3A_11 = vector.load %arg3[%get3A_9, %get3A_10] : memref<192x768xf32, #tpu.memory_space<vmem>>, vector<192x768xf32>
    %convert_element_type3A_12 = arith.truncf %get3A_11 : vector<192x768xf32> to vector<192x768xbf16>
    %dot_general3A = arith.constant dense<0.000000e+00> : vector<576x768xf32>
    %dot_general3A_13 = tpu.matmul %convert_element_type3A, %convert_element_type3A_12, %dot_general3A {dimension_numbers = #tpu.dot_dimension_numbers<[0], [0], [1], [1], [0, 1, 1, 1], [], []>, transpose_lhs_hint = false} : vector<192x576xbf16>, vector<192x768xbf16>, vector<576x768xf32> -> vector<576x768xf32>
    %get3A_14 = arith.constant 0 : index
    %get3A_15 = arith.constant 0 : index
    %get3A_16 = vector.load %arg4[%get3A_14, %get3A_15] : memref<1x768xf32, #tpu.memory_space<vmem>>, vector<1x768xf32>
    %add3A_17 = vector.broadcast %get3A_16 : vector<1x768xf32> to vector<576x768xf32>
    %add3A_18 = arith.addf %dot_general3A_13, %add3A_17 : vector<576x768xf32>
    %logistic3A = arith.negf %add3A_18 : vector<576x768xf32>
    %logistic3A_19 = math.exp %logistic3A : vector<576x768xf32>
    %logistic3A_20 = arith.constant 1.000000e+00 : f32
    %logistic3A_21 = vector.broadcast %logistic3A_20 : f32 to vector<576x768xf32>
    %logistic3A_22 = arith.addf %logistic3A_21, %logistic3A_19 : vector<576x768xf32>
    %logistic3A_23 = arith.divf %logistic3A_21, %logistic3A_22 : vector<576x768xf32>
    %swap3A = arith.constant 0 : index
    %swap3A_24 = arith.constant 0 : index
    %swap3A_25 = vector.load %arg6[%swap3A, %swap3A_24] : memref<576x768xf32, #tpu.memory_space<vmem>>, vector<576x768xf32>
    tpu.vector_store %arg6[%swap3A, %swap3A_24], %logistic3A_23 {strides = array<i32>} : memref<576x768xf32, #tpu.memory_space<vmem>>, vector<576x768xf32>,
    return
  }
  func.func @transform_0(%arg0: i32) -> (i32, i32) {
    %c0_i32 = arith.constant 0 : i32
    %c0_i32_0 = arith.constant 0 : i32
    return %arg0, %c0_i32 : i32, i32
  }
  func.func @transform_1(%arg0: i32) -> (i32, i32) {
    %c0_i32 = arith.constant 0 : i32
    %c0_i32_0 = arith.constant 0 : i32
    return %arg0, %c0_i32 : i32, i32
  }
  func.func @transform_2(%arg0: i32) -> (i32, i32) {
    %c0_i32 = arith.constant 0 : i32
    %c0_i32_0 = arith.constant 0 : i32
    %c0_i32_1 = arith.constant 0 : i32
    return %c0_i32, %c0_i32_0 : i32, i32
  }
  func.func @transform_3(%arg0: i32) -> (i32, i32) {
    %c0_i32 = arith.constant 0 : i32
    %c0_i32_0 = arith.constant 0 : i32
    %c0_i32_1 = arith.constant 0 : i32
    return %c0_i32, %c0_i32_0 : i32, i32
  }
  func.func @transform_4(%arg0: i32) -> (i32, i32) {
    %c0_i32 = arith.constant 0 : i32
    %c0_i32_0 = arith.constant 0 : i32
    %c0_i32_1 = arith.constant 0 : i32
    return %c0_i32, %c0_i32_0 : i32, i32
  }
  func.func @transform_5(%arg0: i32) -> (i32, i32) {
    %c0_i32 = arith.constant 0 : i32
    %c0_i32_0 = arith.constant 0 : i32
    return %arg0, %c0_i32 : i32, i32
  }
}

</mosaic_0001>

<sc_bundles>
// kernel: kernel.6.cloned.1.call-start
scs
__scs_entry_jumppad:
0x0: {  	(pc) =	sbr.rel $0x88, $3  }
0x1: {  	(tag) =	ssettag $0x0;
	lr =	simm.s32 $0x1  }
0x2: {  	[smem:$0x3F9A] =	sst lr;
	_ =	strace $0xD0000000  }
0x3: {  	_ = 	snop  }
0x4: {  	_ = 	snop  }
0x5: {  	_ = 	snop  }
0x6: {  	_ = 	snop  }
0x7: {  	_ = 	snop  }
__scs_overlays_trampoline_lowered:
0x8: {  	[smem:$0x3FA9] =	sst s0  }
0x9: {  	[smem:$0x3FAA] =	sst s1  }
0xa: {  	[smem:$0x3FAB] =	sst s2  }
0xb: {  	[smem:$0x3FAC] =	sst s3  }
0xc: {  	[smem:$0x3FAD] =	sst s4  }
0xd: {  	[smem:$0x3FAE] =	sst s5  }
0xe: {  	[smem:$0x3FAF] =	sst s6  }
0xf: {  	[smem:$0x3FB0] =	sst s7  }
0x10: {  	[smem:$0x3FB1] =	sst s8  }
0x11: {  	[smem:$0x3FB2] =	sst s9;
	s0 =	simm.s32 @!p0 $0x0  }
0x12: {  	s1 =	sld [smem:$0x3F98];
	s0 =	simm.s32 @p0 $0x1  }
0x13: {  	[smem:$0x3FB3] =	sst s0;
	s0 =	simm.s32 @!p1 $0x0  }
0x14: {  	s2 =	sld [smem:$0x3F97];
	s0 =	simm.s32 @p1 $0x1  }
0x15: {  	[smem:$0x3FB4] =	sst s0;
	s0 =	simm.s32 @!p2 $0x0  }
0x16: {  	s3 =	sld [smem:$0x3FDB];
	s0 =	simm.s32 @p2 $0x1  }
0x17: {  	s4 =	simm.s32 $0x1BF5;
	[smem:$0x3FB6] =	sst s0  }
0x18: {  	s0 =	sld [smem:$0x3F99];
	_ =	swait.ge [sflag:s4], $0x0  }
0x19: {  	s7 =	sld [smem:$0x3F9A]  }
0x1a: {  	s8 =	sadd.s32 $0xFFFFE003, lr  }
0x1b: {  	s9 =	sadd.s32 $0xFFFFFEF7, lr;
	s5 =	simm.s32 $0xFFFFFFFF;
	p2 =	slt.u32 s8, $0xFFFFF086  }
0x1c: {  	p1 =	slt.u32 s9, $0xF7A;
	s5 =	simm.s32 @!p2 $0x0  }
0x1d: {  	s5 =	simm.s32 @p1 $0x1;
	p0 =	seq.s32 s7, s2  }
0x1e: {  	s7 =	smul.u32 @!p0 $0xF7A, s2;
	p2 =	seq.s32 @!p0 s5, $0x0  }
0x1f: {  	s9 =	smul.u32 $0xF7A, s1;
	s8 =	simm.s32 @!p0 $0x1BF5;
	p2 =	por !p2, p0  }
0x20: {  	[sflag:s8] =	ssyncset.s32 @!p0 $0xFFFFF086;
	s6 =	sadd.s32 @!p0 s3, s7;
	s7 =	simm.s32 @!p0 $0x108  }
0x21: {  	s3 =	sadd.s32 s3, s9;
	s6 =	sadd.s32 @!p0 $0x88, s6;
	s7 =	simm.s32 @p2 $0x1082  }
0x22: {  	[simem:s7], [sflag:s8] =	dma.local @!p0 [hbm:s6], $0xF7A  }
0x23: {  	s9 =	sor.u32 $0xD0000000, s2;
	s6 =	simm.s32 $0x108;
	_ =	swait.ge @!p0 [sflag:s8], $0x0  }
0x24: {  	s3 =	sadd.s32 $0x88, s3;
	s6 =	simm.s32 @!p1 $0x1082;
	[sflag:s4] =	ssyncset.s32 $0xFFFFF086  }
0x25: {  	[simem:s6], [sflag:s4] =	dma.local [hbm:s3], $0xF7A  }
0x26: {  	[smem:$0x3F9A] =	sst s1;
	(tag) =	ssettag s2;
	_ =	strace s9  }
0x27: {  	s1 =	sld [smem:$0x3FAA]  }
0x28: {  	s2 =	sld [smem:$0x3FAB]  }
0x29: {  	s4 =	sld [smem:$0x3FAD]  }
0x2a: {  	p0 =	seq.s32 s5, $0x0;
	s5 =	sld [smem:$0x3FAE]  }
0x2b: {  	s6 =	sld [smem:$0x3FAF]  }
0x2c: {  	s7 =	sld [smem:$0x3FB0]  }
0x2d: {  	s3 =	simm.s32 $0x108;
	s8 =	sld [smem:$0x3FB1]  }
0x2e: {  	s3 =	simm.s32 @!p0 $0x1082;
	s9 =	sld [smem:$0x3FB2]  }
0x2f: {  	lr =	sadd.s32 s0, s3;
	s0 =	sld [smem:$0x3FA9]  }
0x30: {  	s3 =	sld [smem:$0x3FAC]  }
0x31: {  	[smem:$0x3FB5] =	sst s10  }
0x32: {  	s10 =	sld [smem:$0x3FB3];
	_ =	sdelay $0x3  }
0x33: {  	p0 =	seq.s32 s10, $0x1;
	s10 =	sld [smem:$0x3FB5];
	_ =	sdelay $0x3  }
0x34: {  	[smem:$0x3FB5] =	sst s10  }
0x35: {  	s10 =	sld [smem:$0x3FB4];
	_ =	sdelay $0x3  }
0x36: {  	p1 =	seq.s32 s10, $0x1;
	s10 =	sld [smem:$0x3FB5];
	_ =	sdelay $0x3  }
0x37: {  	[smem:$0x3FB5] =	sst s10  }
0x38: {  	s10 =	sld [smem:$0x3FB6]  }
0x39: {  	_ = 	snop;
	(pc) =	sbr.ind lr, $3  }
0x3a: {  	_ = 	snop  }
0x3b: {  	_ = 	snop  }
0x3c: {  	p2 =	seq.s32 s10, $0x1;
	s10 =	sld [smem:$0x3FB5]  }
0x3d: {  	_ =	shalt  }
0x3e: {  	_ =	shalt  }
0x3f: {  	_ =	shalt  }
0x40: {  	_ =	shalt  }
0x41: {  	_ =	shalt  }
0x42: {  	_ =	shalt  }
0x43: {  	_ =	shalt  }
0x44: {  	_ =	shalt  }
0x45: {  	_ =	shalt  }
0x46: {  	_ =	shalt  }
0x47: {  	_ =	shalt  }
0x48: {  	_ =	shalt  }
0x49: {  	_ =	shalt  }
0x4a: {  	_ =	shalt  }
0x4b: {  	_ =	shalt  }
0x4c: {  	_ =	shalt  }
0x4d: {  	_ =	shalt  }
0x4e: {  	_ =	shalt  }
0x4f: {  	_ =	shalt  }
0x50: {  	_ =	shalt  }
0x51: {  	_ =	shalt  }
0x52: {  	_ =	shalt  }
0x53: {  	_ =	shalt  }
0x54: {  	_ =	shalt  }
0x55: {  	_ =	shalt  }
0x56: {  	_ =	shalt  }
0x57: {  	_ =	shalt  }
0x58: {  	_ =	shalt  }
0x59: {  	_ =	shalt  }
0x5a: {  	_ =	shalt  }
0x5b: {  	_ =	shalt  }
0x5c: {  	_ =	shalt  }
0x5d: {  	_ =	shalt  }
0x5e: {  	_ =	shalt  }
0x5f: {  	_ =	shalt  }
0x60: {  	_ =	shalt  }
0x61: {  	_ =	shalt  }
0x62: {  	_ =	shalt  }
0x63: {  	_ =	shalt  }
0x64: {  	_ =	shalt  }
0x65: {  	_ =	shalt  }
0x66: {  	_ =	shalt  }
0x67: {  	_ =	shalt  }
0x68: {  	_ =	shalt  }
0x69: {  	_ =	shalt  }
0x6a: {  	_ =	shalt  }
0x6b: {  	_ =	shalt  }
0x6c: {  	_ =	shalt  }
0x6d: {  	_ =	shalt  }
0x6e: {  	_ =	shalt  }
0x6f: {  	_ =	shalt  }
0x70: {  	_ =	shalt  }
0x71: {  	_ =	shalt  }
0x72: {  	_ =	shalt  }
0x73: {  	_ =	shalt  }
0x74: {  	_ =	shalt  }
0x75: {  	_ =	shalt  }
0x76: {  	_ =	shalt  }
0x77: {  	_ =	shalt  }
0x78: {  	_ =	shalt  }
0x79: {  	_ =	shalt  }
0x7a: {  	_ =	shalt  }
0x7b: {  	_ =	shalt  }
0x7c: {  	_ =	shalt  }
0x7d: {  	_ =	shalt  }
0x7e: {  	_ =	shalt  }
0x7f: {  	_ =	shalt  }
0x80: {  	_ =	shalt  }
0x81: {  	_ =	shalt  }
0x82: {  	_ =	shalt  }
0x83: {  	_ =	shalt  }
0x84: {  	_ =	shalt  }
0x85: {  	_ =	shalt  }
0x86: {  	_ =	shalt  }
0x87: {  	_ =	shalt  }
.Lfunc_end0:
.L_simem_size_0:
called_computation_lowered:
.L_overlay_start_0:
0x88: {  	s2 =	sld [smem:$0x3FD9]  }
0x89: {  	s3 =	sld [smem:$0x3FFE];
	_ =	sdelay $0x1  }
0x8a: {  	s1 =	srdreg.scid  }
0x8b: {  	s0 =	sand.u32 $0x1, s1  }
0x8c: {  	s14 =	sshll.u32 s0, $0xA;
	s2 =	sadd.s32 s3, s2  }
0x8d: {  	s2 =	sadd.s32 s2, s14  }
0x8e: {  	[smem:$0x3FC1] =	sst s2  }
0x8f: {  	_ = 	snop  }
0x90: {  	s2 =	sld [smem:$0x3FD0];
	_ =	sdelay $0x2  }
0x91: {  	s15 =	simm.s32 $0xA;
	s4 =	simm.s32 $0x10  }
0x92: {  	[smem:s4], [sflag:s15] =	dma.local [hbm:s2], $0x1  }
0x93: {  	_ =	swait.eq [sflag:s15], $0x1  }
0x94: {  	[sflag:s15] =	ssyncset.done $0x0  }
0x95: {  	[sflag:s15] =	ssyncadd.s32 $0xFFFFFFFF  }
0x96: {  	s16 =	sld [smem:$0x10];
	(tm) =	ssettm $0x1  }
0x97: {  	s17 =	sld [smem:$0x3FFB];
	_ =	sdelay $0x3  }
0x98: {  	_ =	strace s17  }
0x99: {  	s3 =	sld [smem:$0x3FFC];
	_ =	sdelay $0x3  }
0x9a: {  	_ =	strace s3  }
0x9b: {  	s3 =	sld [smem:$0x3FFD];
	_ =	sdelay $0x3  }
0x9c: {  	_ =	strace s3  }
0x9d: {  	_ =	strace $0x8FFFFFFF  }
0x9e: {  	s18 =	sld [smem:$0x3FDB];
	_ =	sdelay $0x1  }
0x9f: {  	s19 =	simm.s32 $_scs_section_size  }
0xa0: {  	s5 =	simm.s32 $_size__tile_overlayer_lowered;
	s6 =	simm.s32 $_tile_overlayer_lowered  }
0xa1: {  	s22 =	simm.s32 $0x1BFF;
	s21 =	sshll.u32 s6, $0x1;
	s3 =	sadd.s32 s19, s18  }
0xa2: {  	s7 =	simm.s32 $0x0;
	s20 =	sshll.u32 s5, $0x1;
	s5 =	sadd.s32 s21, s3  }
0xa3: {  	[timem:s7], [sflag:s22] =	dma.local [hbm:s5], s20  }
0xa4: {  	_ =	swait.ge [sflag:s22], s20  }
0xa5: {  	s4 =	ssub.s32 $0x0, s20;
	[sflag:s22] =	ssyncset.done $0x0  }
0xa6: {  	[sflag:s22] =	ssyncadd.s32 s4;
	_ =	sdelay $0x1  }
0xa7: {  	s23 =	simm.s32 $0x1B8B  }
0xa8: {  	_ =	swait.ge [sflag:s23], $0x1  }
0xa9: {  	[sflag:s23] =	ssyncset.done $0x0  }
0xaa: {  	s25 =	simm.s32 $0x1B8E;
	s24 =	sld [smem:$0x3FFE];
	[sflag:s23] =	ssyncadd.s32 $0xFFFFFFFF  }
0xab: {  	s26 =	simm.s32 $execute0_lowered;
	[smem:$0x3FD2] =	sst s25  }
0xac: {  	s5 =	sshll.u32 s26, $0x1;
	_ =	strace $0x80000046;
	[dreg:$0x1] =	wrdreg $0xFFFFFFFF  }
0xad: {  	s28 =	simm.s32 $_size_execute0_lowered;
	s3 =	sadd.s32 s3, s5;
	[dreg:$0x0] =	wrdreg $0x0  }
0xae: {  	s5 =	sshll.u32 s28, $0x1;
	[dreg:$0x2] =	wrdreg s3  }
0xaf: {  	[dreg:$0x3] =	wrdreg s5  }
0xb0: {  	[dreg:$0x4] =	wrdreg $0xC0  }
0xb1: {  	_ =	task [dreg:s7], $0x5FFFF  }
0xb2: {  	[dreg:$0x1] =	wrdreg $0xFFFFFFFF  }
0xb3: {  	[dreg:$0x0] =	wrdreg $0x60  }
0xb4: {  	[dreg:$0x2] =	wrdreg s24  }
0xb5: {  	[dreg:$0x3] =	wrdreg s16  }
0xb6: {  	[dreg:$0x4] =	wrdreg $0x9  }
0xb7: {  	_ =	task.clear_ibuf [dreg:s7], $0x5FFFF;
	_ =	strace $0x90000046  }
0xb8: {  	s29 =	simm.s32 $0x9;
	_ =	strace $0x80000048  }
0xb9: {  	_ =	swait.ge [sflag:s29], $0x1  }
0xba: {  	[sflag:s29] =	ssyncadd.s32 $0xFFFFFFFF  }
0xbb: {  	_ =	strace $0x90000048  }
0xbc: {  	_ =	sfence  }
0xbd: {  	s30 =	sld [smem:$0x0];
	_ =	sdelay $0x2  }
0xbe: {  	s31 =	sshll.u32 s1, $0xD;
	s1 =	sshrl.u32 s1, $0x2  }
0xbf: {  	s3 =	sand.u32 $0x4000, s31;
	s1 =	sadd.s32 s1, s30  }
0xc0: {  	s0 =	sor.u32 s3, s0;
	s1 =	sshll.u32 s1, $0x11  }
0xc1: {  	s0 =	sor.u32 s1, s0  }
0xc2: {  	s0 =	sadd.s32 $0x8F2B, s0  }
0xc3: {  	[sflag:s0] =	ssyncadd.remote.s32 $0x1  }
0xc4: {  	_ =	sfence.sel $0xFFFF  }
0xc5: {  	[dreg:$0x0] =	wrdreg $0xFFFFFFFF;
	(pc) =	sbr.abs _section_cstart, $3  }
0xc6: {  	[dreg:$0x1] =	wrdreg $0xFFFFFFFF  }
0xc7: {  	_ =	task.clear_ibuf [dreg:s7], $0x2FFFF;
	_ =	strace $0x9FFFFFFF  }
0xc8: {  	(tm) =	ssettm $0x7FFFFFFF  }
0xc9: {  	_ =	shalt  }
tec
execute0_lowered:
.L_overlay_start_1:
0x0: {  	(tag) =	ssettag $0x1  }
0x1: {  	s1 =	srdreg.scid  }
0x2: {  	s0 =	stileid.u32;
	s8 =	rddreg [dreg:$0x0]  }
0x3: {  	s3 =	rddreg [dreg:$0x1];
	s6 =	sand.u32 $0x1, s1;
	s30 =	sshll.u32 s0, $0x1  }
0x4: {  	s2 =	simm.s32 $0x0;
	s1 =	rddreg [dreg:$0x2];
	s7 =	sor.u32 s6, s30  }
0x5: {  	[smem:$0x7FF] =	sst s2;
	s4 =	smul.u32 $0x360, s7  }
0x6: {  	s5 =	sadd.s32 $0x360E00, s8;
	_ =	strace $0x80000047;
	s10 =	ssub.s32 $0x2, s6  }
0x7: {  	s6 =	simm.s32 $0x1B00;
	s4 =	sadd.s32 s3, s4;
	s3 =	simm.s32 $0x2  }
0x8: {  	[tilespmem:s2], [sflag:$0x2] =	stream.linear.gather [hbm4b:s4+s2], $0x1B00, $0x38;
	[tilespmem:$0x1CB00] =	vst v63  }
0x9: {  	s9 =	smul.u32 $0x3600, s7;
	s11 =	sshrl.u32 s10, $0x1;
	_ =	swait.ge [sflag:s3], $0x1B00  }
0xa: {  	s7 =	simm.s32 $0x1;
	s31 =	ssub.s32 s10, s11;
	[sflag:s3] =	ssyncset.done $0x0  }
0xb: {  	s8 =	sadd.s32 s9, s8;
	s9 =	smax.u32 s31, $0x1;
	[sflag:s3] =	ssyncadd.s32 $0xFFFFE500  }
0xc: {  	[tilespmem:s6], [sflag:$0x1] =	stream.indirect.gather [hbm4b:s5+s6], $0x10, s2, s6, $0xb8;
	[tilespmem:$0x1CB00] =	vst v63  }
0xd: {  	p0 =	sne.s32 s9, $0x1;
	_ =	swait.ge [sflag:s7], $0x1B000  }
.Ltmp0:
0xe: {  	[sflag:s7] =	ssyncset.done $0x0;
	(pc) =	sbr.rel @!p0 .LBB2_2-.Ltmp0, $4  }
0xf: {  	s8 =	sadd.s32 $0xE00, s8;
	[sflag:s7] =	ssyncadd.s32 $0xFFFE5000  }
0x10: {  	[hbm4b:s8+s2] =	stream.linear.scatter [tilespmem:s6], [sflag:$0x2], $0x1B000, $0x38;
	[tilespmem:$0x1CB00] =	vst v63  }
0x11: {  	_ =	swait.ge [sflag:s3], $0x1B000  }
0x12: {  	s9 =	sadd.s32 $0xFFFFFFFF, s9;
	[sflag:s3] =	ssyncset.done $0x0  }
.LBB2_1:
0x13: {  	p0 =	sne.s32 s9, $0x1;
	s9 =	sadd.s32 $0xFFFFFFFF, s9;
	[sflag:s3] =	ssyncadd.s32 $0xFFFE5000  }
0x14: {  	[tilespmem:s2], [sflag:$0x2] =	stream.linear.gather [hbm4b:s4+s2], $0x1B00, $0x38;
	[tilespmem:$0x1CB00] =	vst v63  }
0x15: {  	_ =	swait.ge [sflag:s3], $0x1B00  }
0x16: {  	[sflag:s3] =	ssyncset.done $0x0  }
0x17: {  	[sflag:s3] =	ssyncadd.s32 $0xFFFFE500  }
0x18: {  	[tilespmem:s6], [sflag:$0x1] =	stream.indirect.gather [hbm4b:s5+s6], $0x10, s2, s6, $0xb8;
	[tilespmem:$0x1CB00] =	vst v63  }
0x19: {  	_ =	swait.ge [sflag:s7], $0x1B000  }
.Ltmp1:
0x1a: {  	[sflag:s7] =	ssyncset.done $0x0;
	(pc) =	sbr.rel @p0 .LBB2_1-.Ltmp1, $4  }
0x1b: {  	[sflag:s7] =	ssyncadd.s32 $0xFFFE5000  }
0x1c: {  	[hbm4b:s8+s2] =	stream.linear.scatter [tilespmem:s6], [sflag:$0x2], $0x1B000, $0x38;
	[tilespmem:$0x1CB00] =	vst v63  }
0x1d: {  	_ =	swait.ge [sflag:s3], $0x1B000  }
0x1e: {  	[sflag:s3] =	ssyncset.done $0x0  }
.LBB2_2:
0x1f: {  	[sflag:s3] =	ssyncadd.s32 $0xFFFE5000  }
0x20: {  	_ =	sfence.sel $0x180000  }
0x21: {  	[bflag:$0x0] =	sbarrier.arrive $0xFFFF  }
0x22: {  	p0 =	sne.s32 s0, $0x0;
	_ =	strace $0x90000047  }
0x23: {  	s0 =	sadd.s32 @!p0 $0x100000, s1;
	[bflag:$0x2] =	sbarrier.arrive $0xFFFF  }
0x24: {  	[sflag:s0] =	ssyncadd.tile.s32 @!p0 $0x1;
	_ =	shalt  }
.Lfunc_end2:
_tile_overlayer_lowered:
.L_overlay_start_2:
0x25: {  	(tag) =	ssettag $0x2  }
0x26: {  	s0 =	rddreg [dreg:$0x0];
	s2 =	stileid.u32  }
0x27: {  	s1 =	rddreg [dreg:$0x1];
	p0 =	sne.s32 s2, $0x0  }
0x28: {  	s3 =	rddreg [dreg:$0x2];
	[bflag:$0x3] =	sbarrier.arrive $0xFFFF;
	s2 =	simm.s32 @!p0 $0x1C02  }
0x29: {  	[timem:s3], [sflag:s2] =	dma.local @!p0 [hbm:s0], s1  }
0x2a: {  	s0 =	simm.s32 @!p0 $0x2  }
0x2b: {  	_ =	swait.ge @!p0 [sflag:s0], s1  }
0x2c: {  	s1 =	ssub.s32 @!p0 $0x0, s1;
	[sflag:s0] =	ssyncset.done @!p0 $0x0  }
0x2d: {  	[sflag:s0] =	ssyncadd.s32 @!p0 s1  }
0x2e: {  	[bflag:$0x3] =	sbarrier.arrive $0xFFFF  }
0x2f: {  	_ =	shalt  }

</sc_bundles>
